<compile_context>
chip_gen: v7x
topology: tpu7x:2x2x1
jax: 0.10.2.dev20260603
libtpu: 0.0.44.dev20260713+nightly
codegen_flags: <defaults>
</compile_context>

<pallas_src>
import functools

import jax
import jax.numpy as jnp
from jax import lax
from jax.experimental import pallas as pl
from jax.experimental.pallas import tpu as pltpu
from jax.experimental.pallas import tpu_sc as plsc

NUM_EMB = 1_000_000
IDIM = 31
KDIM = 32
EDIM = 128
NQ = 4
QS = 249984
_PBN = 8064
_TAIL = NUM_EMB - NQ * QS
_NZ = 64
PROWS = QS + _TAIL + _NZ

_NC = 2
_NS = 16
_NW = _NC * _NS

_CHUNK = 128


def _tc_pack():
    nreg = QS // _PBN

    def pk(w_hbm, tail_ref, o_ref, scr, sem):
        c = pl.program_id(0)

        def dma(step, slot, q):
            return pltpu.make_async_copy(
                w_hbm.at[:, pl.ds(q * QS + step * _PBN, _PBN)],
                scr.at[slot, q],
                sem.at[slot],
            )

        @pl.when(c == 0)
        def _():
            for q in range(NQ):
                dma(0, 0, q).start()

        @pl.when(c + 1 < nreg)
        def _():
            for q in range(NQ):
                dma(c + 1, (c + 1) % 2, q).start()

        @pl.when(c < nreg)
        def _():
            slot = c % 2
            for q in range(NQ):
                dma(c, slot, q).wait()
            row = lax.broadcasted_iota(jnp.int32, (IDIM, KDIM), 0)
            col = lax.broadcasted_iota(jnp.int32, (IDIM, KDIM), 1)
            eye = (row == col).astype(jnp.float32)
            for q in range(NQ):
                o_ref[:, q * KDIM:(q + 1) * KDIM] = lax.dot_general(
                    scr[slot, q], eye, (((0,), (0,)), ((), ())),
                    preferred_element_type=jnp.float32)

        @pl.when(c == nreg)
        def _():
            o_ref[...] = jnp.pad(
                tail_ref[...],
                ((0, _PBN - _TAIL), (0, (NQ - 1) * KDIM)))

    return pl.pallas_call(
        pk,
        grid=(nreg + 1,),
        in_specs=[
            pl.BlockSpec(memory_space=pl.ANY),
            pl.BlockSpec((_TAIL, KDIM), lambda c: (0, 0)),
        ],
        out_specs=pl.BlockSpec((_PBN, NQ * KDIM), lambda c: (c, 0)),
        out_shape=jax.ShapeDtypeStruct((PROWS, NQ * KDIM), jnp.float32),
        scratch_shapes=[
            pltpu.VMEM((2, NQ, IDIM, _PBN), jnp.float32),
            pltpu.SemaphoreType.DMA((2,)),
        ],
    )


def _sc_gather(B: int):
    b_per_w = B // _NW
    n_chunks = b_per_w // _CHUNK
    mesh = plsc.VectorSubcoreMesh(core_axis_name="c", subcore_axis_name="s")

    @functools.partial(
        pl.kernel,
        mesh=mesh,
        out_type=jax.ShapeDtypeStruct((B, KDIM), jnp.float32),
        scratch_types=[
            pltpu.VMEM((b_per_w,), jnp.int32),
            [pltpu.VMEM((_CHUNK, KDIM), jnp.float32) for _ in range(2)],
            pltpu.SemaphoreType.DMA,
            pltpu.SemaphoreType.DMA,
        ],
        compiler_params=pltpu.CompilerParams(use_tc_tiling_on_sc=False),
    )
    def k(idx_hbm, table_hbm, out_hbm, idx_v, gb, sg, so):
        wid = lax.axis_index("s") * _NC + lax.axis_index("c")
        base = wid * b_per_w
        pltpu.sync_copy(idx_hbm.at[pl.ds(base, b_per_w)], idx_v)

        def out_copy(par, j):
            return pltpu.make_async_copy(
                gb[par],
                out_hbm.at[pl.ds(base + j * _CHUNK, _CHUNK), :],
                so,
            )

        def gather(par, j):
            return pltpu.async_copy(
                table_hbm.at[idx_v.at[pl.ds(j * _CHUNK, _CHUNK)]],
                gb[par],
                sg,
            )

        def pair_body(jj, carry):
            for par in range(2):
                j = jj * 2 + par

                @pl.when(jj >= 1)
                def _():
                    out_copy(par, j).wait()

                gather(par, j).wait()
                out_copy(par, j).start()
            return carry

        lax.fori_loop(0, n_chunks // 2, pair_body, 0)
        for par in range(2):
            out_copy(par, 0).wait()

    return k


def _tc_matmul(B: int, block_n: int):
    def mm(g_ref, w_ref, o_ref):
        o_ref[...] = jnp.dot(g_ref[...], w_ref[...],
                             preferred_element_type=jnp.float32)

    return pl.pallas_call(
        mm,
        grid=(B // block_n,),
        in_specs=[
            pl.BlockSpec((block_n, KDIM), lambda i: (i, 0)),
            pl.BlockSpec((KDIM, EDIM), lambda i: (0, 0)),
        ],
        out_specs=pl.BlockSpec((block_n, EDIM), lambda i: (i, 0)),
        out_shape=jax.ShapeDtypeStruct((B, EDIM), jnp.float32),
    )


def kernel(x, w1, w2):
    Bt, F = x.shape
    B = Bt * F
    idx = x.T.reshape(B).astype(jnp.int32)
    tail = idx >= NQ * QS
    ridx = jnp.where(tail, idx - NQ * QS + QS, idx % QS)
    qsel = jnp.where(tail, 0, idx // QS)
    midx = ridx * NQ + qsel
    tailp = jnp.pad(w1[NQ * QS:], ((0, 0), (0, KDIM - IDIM)))
    table = _tc_pack()(w1.T, tailp)
    tflat = table.reshape(PROWS * NQ, KDIM)
    w2p = jnp.pad(w2, ((0, KDIM - IDIM), (0, 0)))
    emb = _sc_gather(B)(midx, tflat)
    out = _tc_matmul(B, 2048)(emb, w2p)
    return out.reshape(F, Bt, EDIM).transpose(1, 0, 2)

# --- scband reference (transcript-rebuilt; emitter-appended) ---
"""Pipeline reference for scband-low-rank-embedding-22136261443766 (READ-ONLY COPY).

The authoritative reference and input builder live on the scoring server;
editing this copy changes nothing except your own understanding.
"""

import jax, jax.numpy as jnp
import numpy as np

NUM_EMBEDDINGS = 1000000
EMBEDDING_DIM = 128
COMPRESSION = 0.25
INTERMEDIATE_DIM = int(EMBEDDING_DIM * NUM_EMBEDDINGS * COMPRESSION / (NUM_EMBEDDINGS + EMBEDDING_DIM))


def setup_inputs(seed: int = 0) -> dict:
    key = jax.random.key(seed)
    k1, k2, k3 = jax.random.split(key, 3)
    x = jax.random.randint(k1, (4096, 26), 0, NUM_EMBEDDINGS, dtype=jnp.int64 if jax.config.jax_enable_x64 else jnp.int32)
    # w1 ~ normal(0, 1) as in nn.init.normal_
    w1 = jax.random.normal(k2, (NUM_EMBEDDINGS, INTERMEDIATE_DIM), dtype=jnp.float32)
    # w2 ~ xavier_normal_: std = sqrt(2 / (fan_in + fan_out))
    xavier_std = float(np.sqrt(2.0 / (INTERMEDIATE_DIM + EMBEDDING_DIM)))
    w2 = jax.random.normal(k3, (INTERMEDIATE_DIM, EMBEDDING_DIM), dtype=jnp.float32) * xavier_std
    return {"x": x, "w1": w1, "w2": w2}


def reference(x, w1, w2):
    # embedding lookup into low-rank factor, then projection
    emb = jnp.take(w1, x, axis=0)          # [B, F, intermediate_dim]
    emb = jnp.matmul(emb, w2)               # [B, F, embedding_dim]
    return emb

if __name__ == "__main__":
    import jax
    _d = setup_inputs()
    print(jax.jit(kernel)(*tuple(_d.values())))

</pallas_src>

<mosaic_0001>
#map = affine_map<(d0, d1) -> (0)>
#map1 = affine_map<(d0, d1) -> (0, 0)>
module attributes {stable_mosaic.version = 14 : i64} {
  func.func @k(%arg0: i32, %arg1: i32, %arg2: memref<106496xi32, #tpu.memory_space<hbm>>, %arg3: memref<1000448x32xf32, #tpu.memory_space<hbm>>, %arg4: memref<106496x32xf32, #tpu.memory_space<hbm>>, %arg5: memref<3328xi32, #tpu.memory_space<vmem>>, %arg6: memref<128x32xf32, #tpu.memory_space<vmem>>, %arg7: memref<128x32xf32, #tpu.memory_space<vmem>>, %arg8: memref<!tpu.dma_semaphore, #tpu.memory_space<semaphore_mem>>, %arg9: memref<!tpu.dma_semaphore, #tpu.memory_space<semaphore_mem>>) attributes {dimension_semantics = [#tpu.dimension_semantics<core_parallel>, #tpu.dimension_semantics<subcore_parallel>], iteration_bounds = array<i64: 2, 16>, scalar_prefetch = 0 : i64, scratch_operands = 5 : i64, tpu.core_type = #tpu.core_type<sc_vector_subcore>, window_params = [{transform_indices = #map}, {transform_indices = #map1}, {transform_indices = #map1}]} {
    %mul3A = arith.constant 2 : i32
    %mul3A_0 = arith.muli %arg1, %mul3A : i32
    %add3A = arith.addi %mul3A_0, %arg0 : i32
    %mul3A_1 = arith.constant 3328 : i32
    %mul3A_2 = arith.muli %add3A, %mul3A_1 : i32
    "tpu.region"() ({
      %run_scoped3A = tpu.sem_alloc : memref<!tpu.dma_semaphore, #tpu.memory_space<semaphore_mem>>
      %dma_start3A = tpu.memref_slice %arg2[%mul3A_2] : memref<106496xi32, #tpu.memory_space<hbm>> -> memref<3328xi32, #tpu.memory_space<hbm>>
      %dma_start3A_19 = tpu.memref_slice %arg2[%mul3A_2] : memref<106496xi32, #tpu.memory_space<hbm>> -> memref<3328xi32, #tpu.memory_space<hbm>>
      tpu.enqueue_dma source(%dma_start3A_19 : memref<3328xi32, #tpu.memory_space<hbm>>) target(%arg5 : memref<3328xi32, #tpu.memory_space<vmem>>) target_semaphore(%run_scoped3A : memref<!tpu.dma_semaphore, #tpu.memory_space<semaphore_mem>>)
      %dma_wait3A_20 = tpu.memref_slice %arg2[%mul3A_2] : memref<106496xi32, #tpu.memory_space<hbm>> -> memref<3328xi32, #tpu.memory_space<hbm>>
      %dma_wait3A_21 = tpu.memref_slice %arg2[%mul3A_2] : memref<106496xi32, #tpu.memory_space<hbm>> -> memref<3328xi32, #tpu.memory_space<hbm>>
      tpu.wait_dma2 semaphore(%run_scoped3A : memref<!tpu.dma_semaphore, #tpu.memory_space<semaphore_mem>>) src(%dma_wait3A_21 : memref<3328xi32, #tpu.memory_space<hbm>>) dst(%arg5 : memref<3328xi32, #tpu.memory_space<vmem>>)
      tpu.yield
    }) : () -> ()
    %scan3A = arith.constant 0 : i32
    %scan3A_3 = arith.constant 0 : i32
    %scan3A_4 = arith.constant 13 : i32
    %scan3A_5 = arith.addi %scan3A_3, %scan3A_4 : i32
    %scan3A_6 = arith.constant 1 : i32
    scf.for %scan3A_19 = %scan3A_3 to %scan3A_5 step %scan3A_6  : i32 {
      %mul3A_20 = arith.constant 2 : i32
      %mul3A_21 = arith.muli %scan3A_19, %mul3A_20 : i32
      %add3A_22 = arith.constant 0 : i32
      %add3A_23 = arith.addi %mul3A_21, %add3A_22 : i32
      %ge3A = arith.constant 1 : i32
      %ge3A_24 = arith.cmpi sge, %scan3A_19, %ge3A : i32
      %convert_element_type3A = arith.extui %ge3A_24 : i1 to i32
      %cond3A = arith.constant 0 : i32
      %cond3A_25 = arith.cmpi ne, %convert_element_type3A, %cond3A : i32
      scf.if %cond3A_25 {
        %mul3A_68 = arith.constant 128 : i32
        %mul3A_69 = arith.muli %add3A_23, %mul3A_68 : i32
        %add3A_70 = arith.addi %mul3A_2, %mul3A_69 : i32
        %dma_wait3A_71 = arith.constant 0 : i32
        %dma_wait3A_72 = tpu.memref_slice %arg4[%add3A_70, %dma_wait3A_71] : memref<106496x32xf32, #tpu.memory_space<hbm>> -> memref<128x32xf32, #tpu.memory_space<hbm>>
        %dma_wait3A_73 = arith.constant 0 : i32
        %dma_wait3A_74 = tpu.memref_slice %arg4[%add3A_70, %dma_wait3A_73] : memref<106496x32xf32, #tpu.memory_space<hbm>> -> memref<128x32xf32, #tpu.memory_space<hbm>>
        tpu.wait_dma2 semaphore(%arg9 : memref<!tpu.dma_semaphore, #tpu.memory_space<semaphore_mem>>) src(%arg6 : memref<128x32xf32, #tpu.memory_space<vmem>>) dst(%dma_wait3A_74 : memref<128x32xf32, #tpu.memory_space<hbm>>)
      } else {
      }
      %mul3A_26 = arith.constant 128 : i32
      %mul3A_27 = arith.muli %add3A_23, %mul3A_26 : i32
      %dma_start3A = tpu.memref_slice %arg5[%mul3A_27] : memref<3328xi32, #tpu.memory_space<vmem>> -> memref<128xi32, #tpu.memory_space<vmem>>
      %dma_start3A_28 = arith.constant 0 : i32
      %dma_start3A_29 = arith.constant 0 : i32
      %dma_start3A_30 = tpu.memref_slice %arg3[%dma_start3A_28, %dma_start3A_29] : memref<1000448x32xf32, #tpu.memory_space<hbm>> -> memref<1000448x32xf32, #tpu.memory_space<hbm>>
      tpu.enqueue_indirect_dma source(%dma_start3A_30 : memref<1000448x32xf32, #tpu.memory_space<hbm>>) target(%arg6 : memref<128x32xf32, #tpu.memory_space<vmem>>) offsets(%dma_start3A : memref<128xi32, #tpu.memory_space<vmem>>) semaphore(%arg8 : memref<!tpu.dma_semaphore, #tpu.memory_space<semaphore_mem>>)
      %dma_wait3A_31 = tpu.memref_slice %arg5[%mul3A_27] : memref<3328xi32, #tpu.memory_space<vmem>> -> memref<128xi32, #tpu.memory_space<vmem>>
      %dma_wait3A_32 = arith.constant 0 : i32
      %dma_wait3A_33 = arith.constant 0 : i32
      %dma_wait3A_34 = tpu.memref_slice %arg3[%dma_wait3A_32, %dma_wait3A_33] : memref<1000448x32xf32, #tpu.memory_space<hbm>> -> memref<1000448x32xf32, #tpu.memory_space<hbm>>
      tpu.wait_indirect_dma semaphore(%arg8 : memref<!tpu.dma_semaphore, #tpu.memory_space<semaphore_mem>>) src(%dma_wait3A_34 : memref<1000448x32xf32, #tpu.memory_space<hbm>>) dst(%arg6 : memref<128x32xf32, #tpu.memory_space<vmem>>)
      %mul3A_35 = arith.constant 128 : i32
      %mul3A_36 = arith.muli %add3A_23, %mul3A_35 : i32
      %add3A_37 = arith.addi %mul3A_2, %mul3A_36 : i32
      %dma_start3A_38 = arith.constant 0 : i32
      %dma_start3A_39 = tpu.memref_slice %arg4[%add3A_37, %dma_start3A_38] : memref<106496x32xf32, #tpu.memory_space<hbm>> -> memref<128x32xf32, #tpu.memory_space<hbm>>
      %dma_start3A_40 = arith.constant 0 : i32
      %dma_start3A_41 = tpu.memref_slice %arg4[%add3A_37, %dma_start3A_40] : memref<106496x32xf32, #tpu.memory_space<hbm>> -> memref<128x32xf32, #tpu.memory_space<hbm>>
      tpu.enqueue_dma source(%arg6 : memref<128x32xf32, #tpu.memory_space<vmem>>) target(%dma_start3A_41 : memref<128x32xf32, #tpu.memory_space<hbm>>) target_semaphore(%arg9 : memref<!tpu.dma_semaphore, #tpu.memory_space<semaphore_mem>>)
      %mul3A_42 = arith.constant 2 : i32
      %mul3A_43 = arith.muli %scan3A_19, %mul3A_42 : i32
      %add3A_44 = arith.constant 1 : i32
      %add3A_45 = arith.addi %mul3A_43, %add3A_44 : i32
      %ge3A_46 = arith.constant 1 : i32
      %ge3A_47 = arith.cmpi sge, %scan3A_19, %ge3A_46 : i32
      %convert_element_type3A_48 = arith.extui %ge3A_47 : i1 to i32
      %cond3A_49 = arith.constant 0 : i32
      %cond3A_50 = arith.cmpi ne, %convert_element_type3A_48, %cond3A_49 : i32
      scf.if %cond3A_50 {
        %mul3A_68 = arith.constant 128 : i32
        %mul3A_69 = arith.muli %add3A_45, %mul3A_68 : i32
        %add3A_70 = arith.addi %mul3A_2, %mul3A_69 : i32
        %dma_wait3A_71 = arith.constant 0 : i32
        %dma_wait3A_72 = tpu.memref_slice %arg4[%add3A_70, %dma_wait3A_71] : memref<106496x32xf32, #tpu.memory_space<hbm>> -> memref<128x32xf32, #tpu.memory_space<hbm>>
        %dma_wait3A_73 = arith.constant 0 : i32
        %dma_wait3A_74 = tpu.memref_slice %arg4[%add3A_70, %dma_wait3A_73] : memref<106496x32xf32, #tpu.memory_space<hbm>> -> memref<128x32xf32, #tpu.memory_space<hbm>>
        tpu.wait_dma2 semaphore(%arg9 : memref<!tpu.dma_semaphore, #tpu.memory_space<semaphore_mem>>) src(%arg7 : memref<128x32xf32, #tpu.memory_space<vmem>>) dst(%dma_wait3A_74 : memref<128x32xf32, #tpu.memory_space<hbm>>)
      } else {
      }
      %mul3A_51 = arith.constant 128 : i32
      %mul3A_52 = arith.muli %add3A_45, %mul3A_51 : i32
      %dma_start3A_53 = tpu.memref_slice %arg5[%mul3A_52] : memref<3328xi32, #tpu.memory_space<vmem>> -> memref<128xi32, #tpu.memory_space<vmem>>
      %dma_start3A_54 = arith.constant 0 : i32
      %dma_start3A_55 = arith.constant 0 : i32
      %dma_start3A_56 = tpu.memref_slice %arg3[%dma_start3A_54, %dma_start3A_55] : memref<1000448x32xf32, #tpu.memory_space<hbm>> -> memref<1000448x32xf32, #tpu.memory_space<hbm>>
      tpu.enqueue_indirect_dma source(%dma_start3A_56 : memref<1000448x32xf32, #tpu.memory_space<hbm>>) target(%arg7 : memref<128x32xf32, #tpu.memory_space<vmem>>) offsets(%dma_start3A_53 : memref<128xi32, #tpu.memory_space<vmem>>) semaphore(%arg8 : memref<!tpu.dma_semaphore, #tpu.memory_space<semaphore_mem>>)
      %dma_wait3A_57 = tpu.memref_slice %arg5[%mul3A_52] : memref<3328xi32, #tpu.memory_space<vmem>> -> memref<128xi32, #tpu.memory_space<vmem>>
      %dma_wait3A_58 = arith.constant 0 : i32
      %dma_wait3A_59 = arith.constant 0 : i32
      %dma_wait3A_60 = tpu.memref_slice %arg3[%dma_wait3A_58, %dma_wait3A_59] : memref<1000448x32xf32, #tpu.memory_space<hbm>> -> memref<1000448x32xf32, #tpu.memory_space<hbm>>
      tpu.wait_indirect_dma semaphore(%arg8 : memref<!tpu.dma_semaphore, #tpu.memory_space<semaphore_mem>>) src(%dma_wait3A_60 : memref<1000448x32xf32, #tpu.memory_space<hbm>>) dst(%arg7 : memref<128x32xf32, #tpu.memory_space<vmem>>)
      %mul3A_61 = arith.constant 128 : i32
      %mul3A_62 = arith.muli %add3A_45, %mul3A_61 : i32
      %add3A_63 = arith.addi %mul3A_2, %mul3A_62 : i32
      %dma_start3A_64 = arith.constant 0 : i32
      %dma_start3A_65 = tpu.memref_slice %arg4[%add3A_63, %dma_start3A_64] : memref<106496x32xf32, #tpu.memory_space<hbm>> -> memref<128x32xf32, #tpu.memory_space<hbm>>
      %dma_start3A_66 = arith.constant 0 : i32
      %dma_start3A_67 = tpu.memref_slice %arg4[%add3A_63, %dma_start3A_66] : memref<106496x32xf32, #tpu.memory_space<hbm>> -> memref<128x32xf32, #tpu.memory_space<hbm>>
      tpu.enqueue_dma source(%arg7 : memref<128x32xf32, #tpu.memory_space<vmem>>) target(%dma_start3A_67 : memref<128x32xf32, #tpu.memory_space<hbm>>) target_semaphore(%arg9 : memref<!tpu.dma_semaphore, #tpu.memory_space<semaphore_mem>>)
    }
    %scan3A_7 = arith.constant 13 : i32
    %add3A_8 = arith.constant 0 : i32
    %add3A_9 = arith.addi %mul3A_2, %add3A_8 : i32
    %dma_wait3A = arith.constant 0 : i32
    %dma_wait3A_10 = tpu.memref_slice %arg4[%add3A_9, %dma_wait3A] : memref<106496x32xf32, #tpu.memory_space<hbm>> -> memref<128x32xf32, #tpu.memory_space<hbm>>
    %dma_wait3A_11 = arith.constant 0 : i32
    %dma_wait3A_12 = tpu.memref_slice %arg4[%add3A_9, %dma_wait3A_11] : memref<106496x32xf32, #tpu.memory_space<hbm>> -> memref<128x32xf32, #tpu.memory_space<hbm>>
    tpu.wait_dma2 semaphore(%arg9 : memref<!tpu.dma_semaphore, #tpu.memory_space<semaphore_mem>>) src(%arg6 : memref<128x32xf32, #tpu.memory_space<vmem>>) dst(%dma_wait3A_12 : memref<128x32xf32, #tpu.memory_space<hbm>>)
    %add3A_13 = arith.constant 0 : i32
    %add3A_14 = arith.addi %mul3A_2, %add3A_13 : i32
    %dma_wait3A_15 = arith.constant 0 : i32
    %dma_wait3A_16 = tpu.memref_slice %arg4[%add3A_14, %dma_wait3A_15] : memref<106496x32xf32, #tpu.memory_space<hbm>> -> memref<128x32xf32, #tpu.memory_space<hbm>>
    %dma_wait3A_17 = arith.constant 0 : i32
    %dma_wait3A_18 = tpu.memref_slice %arg4[%add3A_14, %dma_wait3A_17] : memref<106496x32xf32, #tpu.memory_space<hbm>> -> memref<128x32xf32, #tpu.memory_space<hbm>>
    tpu.wait_dma2 semaphore(%arg9 : memref<!tpu.dma_semaphore, #tpu.memory_space<semaphore_mem>>) src(%arg7 : memref<128x32xf32, #tpu.memory_space<vmem>>) dst(%dma_wait3A_18 : memref<128x32xf32, #tpu.memory_space<hbm>>)
    return
  }
}

module attributes {stable_mosaic.version = 14 : i64} {
  func.func @pk(%arg0: i32, %arg1: memref<31x1000000xf32, #tpu.memory_space<any>>, %arg2: memref<64x32xf32, #tpu.memory_space<vmem>>, %arg3: memref<8064x128xf32, #tpu.memory_space<vmem>>, %arg4: memref<2x4x31x8064xf32, #tpu.memory_space<vmem>>, %arg5: memref<2x!tpu.dma_semaphore, #tpu.memory_space<semaphore_mem>>) attributes {dimension_semantics = [#tpu.dimension_semantics<arbitrary>], iteration_bounds = array<i64: 32>, scalar_prefetch = 0 : i64, scratch_operands = 2 : i64, tpu.core_type = #tpu.core_type<tc>, window_params = [{}, {pipeline_mode = #tpu.pipeline_mode<synchronous>, transform_indices = @transform_1, window_bounds = array<i64: 64, 32>}, {transform_indices = @transform_2, window_bounds = array<i64: 8064, 128>}]} {
    %eq3A = arith.constant 0 : i32
    %eq3A_0 = arith.cmpi eq, %arg0, %eq3A : i32
    %convert_element_type3A = arith.extui %eq3A_0 : i1 to i32
    %cond3A = arith.constant 0 : i32
    %cond3A_1 = arith.cmpi ne, %convert_element_type3A, %cond3A : i32
    scf.if %cond3A_1 {
      %dma_start3A = arith.constant 0 : i32
      %dma_start3A_17 = arith.constant 0 : i32
      %dma_start3A_18 = arith.constant 0 : i32
      %dma_start3A_19 = tpu.memref_slice %arg5[%dma_start3A_18] : memref<2x!tpu.dma_semaphore, #tpu.memory_space<semaphore_mem>> -> memref<1x!tpu.dma_semaphore, #tpu.memory_space<semaphore_mem>>
      %dma_start3A_20 = tpu.memref_squeeze %dma_start3A_19 : memref<1x!tpu.dma_semaphore, #tpu.memory_space<semaphore_mem>> -> memref<!tpu.dma_semaphore, #tpu.memory_space<semaphore_mem>>
      %dma_start3A_21 = arith.constant 0 : i32
      %dma_start3A_22 = arith.constant 0 : i32
      %dma_start3A_23 = tpu.memref_slice %arg4[%dma_start3A, %dma_start3A_17, %dma_start3A_21, %dma_start3A_22] : memref<2x4x31x8064xf32, #tpu.memory_space<vmem>> -> memref<1x1x31x8064xf32, #tpu.memory_space<vmem>>
      %dma_start3A_24 = tpu.memref_squeeze %dma_start3A_23 : memref<1x1x31x8064xf32, #tpu.memory_space<vmem>> -> memref<31x8064xf32, #tpu.memory_space<vmem>>
      %dma_start3A_25 = arith.constant 0 : i32
      %dma_start3A_26 = arith.constant 0 : i32
      %dma_start3A_27 = tpu.memref_slice %arg1[%dma_start3A_25, %dma_start3A_26] : memref<31x1000000xf32, #tpu.memory_space<any>> -> memref<31x8064xf32, #tpu.memory_space<any>>
      tpu.enqueue_dma source(%dma_start3A_27 : memref<31x8064xf32, #tpu.memory_space<any>>) target(%dma_start3A_24 : memref<31x8064xf32, #tpu.memory_space<vmem>>) target_semaphore(%dma_start3A_20 : memref<!tpu.dma_semaphore, #tpu.memory_space<semaphore_mem>>)
      %dma_start3A_28 = arith.constant 0 : i32
      %dma_start3A_29 = arith.constant 1 : i32
      %dma_start3A_30 = arith.constant 0 : i32
      %dma_start3A_31 = tpu.memref_slice %arg5[%dma_start3A_30] : memref<2x!tpu.dma_semaphore, #tpu.memory_space<semaphore_mem>> -> memref<1x!tpu.dma_semaphore, #tpu.memory_space<semaphore_mem>>
      %dma_start3A_32 = tpu.memref_squeeze %dma_start3A_31 : memref<1x!tpu.dma_semaphore, #tpu.memory_space<semaphore_mem>> -> memref<!tpu.dma_semaphore, #tpu.memory_space<semaphore_mem>>
      %dma_start3A_33 = arith.constant 0 : i32
      %dma_start3A_34 = arith.constant 0 : i32
      %dma_start3A_35 = tpu.memref_slice %arg4[%dma_start3A_28, %dma_start3A_29, %dma_start3A_33, %dma_start3A_34] : memref<2x4x31x8064xf32, #tpu.memory_space<vmem>> -> memref<1x1x31x8064xf32, #tpu.memory_space<vmem>>
      %dma_start3A_36 = tpu.memref_squeeze %dma_start3A_35 : memref<1x1x31x8064xf32, #tpu.memory_space<vmem>> -> memref<31x8064xf32, #tpu.memory_space<vmem>>
      %dma_start3A_37 = arith.constant 0 : i32
      %dma_start3A_38 = arith.constant 249984 : i32
      %dma_start3A_39 = tpu.memref_slice %arg1[%dma_start3A_37, %dma_start3A_38] : memref<31x1000000xf32, #tpu.memory_space<any>> -> memref<31x8064xf32, #tpu.memory_space<any>>
      tpu.enqueue_dma source(%dma_start3A_39 : memref<31x8064xf32, #tpu.memory_space<any>>) target(%dma_start3A_36 : memref<31x8064xf32, #tpu.memory_space<vmem>>) target_semaphore(%dma_start3A_32 : memref<!tpu.dma_semaphore, #tpu.memory_space<semaphore_mem>>)
      %dma_start3A_40 = arith.constant 0 : i32
      %dma_start3A_41 = arith.constant 2 : i32
      %dma_start3A_42 = arith.constant 0 : i32
      %dma_start3A_43 = tpu.memref_slice %arg5[%dma_start3A_42] : memref<2x!tpu.dma_semaphore, #tpu.memory_space<semaphore_mem>> -> memref<1x!tpu.dma_semaphore, #tpu.memory_space<semaphore_mem>>
      %dma_start3A_44 = tpu.memref_squeeze %dma_start3A_43 : memref<1x!tpu.dma_semaphore, #tpu.memory_space<semaphore_mem>> -> memref<!tpu.dma_semaphore, #tpu.memory_space<semaphore_mem>>
      %dma_start3A_45 = arith.constant 0 : i32
      %dma_start3A_46 = arith.constant 0 : i32
      %dma_start3A_47 = tpu.memref_slice %arg4[%dma_start3A_40, %dma_start3A_41, %dma_start3A_45, %dma_start3A_46] : memref<2x4x31x8064xf32, #tpu.memory_space<vmem>> -> memref<1x1x31x8064xf32, #tpu.memory_space<vmem>>
      %dma_start3A_48 = tpu.memref_squeeze %dma_start3A_47 : memref<1x1x31x8064xf32, #tpu.memory_space<vmem>> -> memref<31x8064xf32, #tpu.memory_space<vmem>>
      %dma_start3A_49 = arith.constant 0 : i32
      %dma_start3A_50 = arith.constant 499968 : i32
      %dma_start3A_51 = tpu.memref_slice %arg1[%dma_start3A_49, %dma_start3A_50] : memref<31x1000000xf32, #tpu.memory_space<any>> -> memref<31x8064xf32, #tpu.memory_space<any>>
      tpu.enqueue_dma source(%dma_start3A_51 : memref<31x8064xf32, #tpu.memory_space<any>>) target(%dma_start3A_48 : memref<31x8064xf32, #tpu.memory_space<vmem>>) target_semaphore(%dma_start3A_44 : memref<!tpu.dma_semaphore, #tpu.memory_space<semaphore_mem>>)
      %dma_start3A_52 = arith.constant 0 : i32
      %dma_start3A_53 = arith.constant 3 : i32
      %dma_start3A_54 = arith.constant 0 : i32
      %dma_start3A_55 = tpu.memref_slice %arg5[%dma_start3A_54] : memref<2x!tpu.dma_semaphore, #tpu.memory_space<semaphore_mem>> -> memref<1x!tpu.dma_semaphore, #tpu.memory_space<semaphore_mem>>
      %dma_start3A_56 = tpu.memref_squeeze %dma_start3A_55 : memref<1x!tpu.dma_semaphore, #tpu.memory_space<semaphore_mem>> -> memref<!tpu.dma_semaphore, #tpu.memory_space<semaphore_mem>>
      %dma_start3A_57 = arith.constant 0 : i32
      %dma_start3A_58 = arith.constant 0 : i32
      %dma_start3A_59 = tpu.memref_slice %arg4[%dma_start3A_52, %dma_start3A_53, %dma_start3A_57, %dma_start3A_58] : memref<2x4x31x8064xf32, #tpu.memory_space<vmem>> -> memref<1x1x31x8064xf32, #tpu.memory_space<vmem>>
      %dma_start3A_60 = tpu.memref_squeeze %dma_start3A_59 : memref<1x1x31x8064xf32, #tpu.memory_space<vmem>> -> memref<31x8064xf32, #tpu.memory_space<vmem>>
      %dma_start3A_61 = arith.constant 0 : i32
      %dma_start3A_62 = arith.constant 749952 : i32
      %dma_start3A_63 = tpu.memref_slice %arg1[%dma_start3A_61, %dma_start3A_62] : memref<31x1000000xf32, #tpu.memory_space<any>> -> memref<31x8064xf32, #tpu.memory_space<any>>
      tpu.enqueue_dma source(%dma_start3A_63 : memref<31x8064xf32, #tpu.memory_space<any>>) target(%dma_start3A_60 : memref<31x8064xf32, #tpu.memory_space<vmem>>) target_semaphore(%dma_start3A_56 : memref<!tpu.dma_semaphore, #tpu.memory_space<semaphore_mem>>)
    } else {
    }
    %add3A = arith.constant 1 : i32
    %add3A_2 = arith.addi %arg0, %add3A : i32
    %lt3A = arith.constant 31 : i32
    %lt3A_3 = arith.cmpi slt, %add3A_2, %lt3A : i32
    %convert_element_type3A_4 = arith.extui %lt3A_3 : i1 to i32
    %cond3A_5 = arith.constant 0 : i32
    %cond3A_6 = arith.cmpi ne, %convert_element_type3A_4, %cond3A_5 : i32
    scf.if %cond3A_6 {
      %add3A_17 = arith.constant 1 : i32
      %add3A_18 = arith.addi %arg0, %add3A_17 : i32
      %add3A_19 = arith.constant 1 : i32
      %add3A_20 = arith.addi %arg0, %add3A_19 : i32
      %jit3A = arith.constant 2 : i32
      %eq3A_21 = arith.constant 0 : i32
      %eq3A_22 = arith.cmpi eq, %jit3A, %eq3A_21 : i32
      %jit3A_23 = arith.constant 1 : i32
      %select_n3A = arith.select %eq3A_22, %jit3A_23, %jit3A : i32
      %rem3A = arith.remsi %add3A_20, %select_n3A : i32
      %ne3A = arith.constant 0 : i32
      %ne3A_24 = arith.cmpi ne, %rem3A, %ne3A : i32
      %lt3A_25 = arith.constant 0 : i32
      %lt3A_26 = arith.cmpi slt, %rem3A, %lt3A_25 : i32
      %lt3A_27 = arith.constant 0 : i32
      %lt3A_28 = arith.cmpi slt, %select_n3A, %lt3A_27 : i32
      %ne3A_29 = arith.xori %lt3A_26, %lt3A_28 : i1
      %and3A = arith.andi %ne3A_29, %ne3A_24 : i1
      %add3A_30 = arith.addi %rem3A, %select_n3A : i32
      %select_n3A_31 = arith.select %and3A, %add3A_30, %rem3A : i32
      %mul3A = arith.constant 8064 : i32
      %mul3A_32 = arith.muli %add3A_18, %mul3A : i32
      %add3A_33 = arith.constant 0 : i32
      %add3A_34 = arith.addi %add3A_33, %mul3A_32 : i32
      %dma_start3A = arith.constant 0 : i32
      %dma_start3A_35 = tpu.memref_slice %arg5[%select_n3A_31] : memref<2x!tpu.dma_semaphore, #tpu.memory_space<semaphore_mem>> -> memref<1x!tpu.dma_semaphore, #tpu.memory_space<semaphore_mem>>
      %dma_start3A_36 = tpu.memref_squeeze %dma_start3A_35 : memref<1x!tpu.dma_semaphore, #tpu.memory_space<semaphore_mem>> -> memref<!tpu.dma_semaphore, #tpu.memory_space<semaphore_mem>>
      %dma_start3A_37 = arith.constant 0 : i32
      %dma_start3A_38 = arith.constant 0 : i32
      %dma_start3A_39 = tpu.memref_slice %arg4[%select_n3A_31, %dma_start3A, %dma_start3A_37, %dma_start3A_38] : memref<2x4x31x8064xf32, #tpu.memory_space<vmem>> -> memref<1x1x31x8064xf32, #tpu.memory_space<vmem>>
      %dma_start3A_40 = tpu.memref_squeeze %dma_start3A_39 : memref<1x1x31x8064xf32, #tpu.memory_space<vmem>> -> memref<31x8064xf32, #tpu.memory_space<vmem>>
      %dma_start3A_41 = arith.constant 0 : i32
      %dma_start3A_42 = tpu.memref_slice %arg1[%dma_start3A_41, %add3A_34] : memref<31x1000000xf32, #tpu.memory_space<any>> -> memref<31x8064xf32, #tpu.memory_space<any>>
      tpu.enqueue_dma source(%dma_start3A_42 : memref<31x8064xf32, #tpu.memory_space<any>>) target(%dma_start3A_40 : memref<31x8064xf32, #tpu.memory_space<vmem>>) target_semaphore(%dma_start3A_36 : memref<!tpu.dma_semaphore, #tpu.memory_space<semaphore_mem>>)
      %add3A_43 = arith.constant 1 : i32
      %add3A_44 = arith.addi %arg0, %add3A_43 : i32
      %add3A_45 = arith.constant 1 : i32
      %add3A_46 = arith.addi %arg0, %add3A_45 : i32
      %jit3A_47 = arith.constant 2 : i32
      %eq3A_48 = arith.constant 0 : i32
      %eq3A_49 = arith.cmpi eq, %jit3A_47, %eq3A_48 : i32
      %jit3A_50 = arith.constant 1 : i32
      %select_n3A_51 = arith.select %eq3A_49, %jit3A_50, %jit3A_47 : i32
      %rem3A_52 = arith.remsi %add3A_46, %select_n3A_51 : i32
      %ne3A_53 = arith.constant 0 : i32
      %ne3A_54 = arith.cmpi ne, %rem3A_52, %ne3A_53 : i32
      %lt3A_55 = arith.constant 0 : i32
      %lt3A_56 = arith.cmpi slt, %rem3A_52, %lt3A_55 : i32
      %lt3A_57 = arith.constant 0 : i32
      %lt3A_58 = arith.cmpi slt, %select_n3A_51, %lt3A_57 : i32
      %ne3A_59 = arith.xori %lt3A_56, %lt3A_58 : i1
      %and3A_60 = arith.andi %ne3A_59, %ne3A_54 : i1
      %add3A_61 = arith.addi %rem3A_52, %select_n3A_51 : i32
      %select_n3A_62 = arith.select %and3A_60, %add3A_61, %rem3A_52 : i32
      %mul3A_63 = arith.constant 8064 : i32
      %mul3A_64 = arith.muli %add3A_44, %mul3A_63 : i32
      %add3A_65 = arith.constant 249984 : i32
      %add3A_66 = arith.addi %add3A_65, %mul3A_64 : i32
      %dma_start3A_67 = arith.constant 1 : i32
      %dma_start3A_68 = tpu.memref_slice %arg5[%select_n3A_62] : memref<2x!tpu.dma_semaphore, #tpu.memory_space<semaphore_mem>> -> memref<1x!tpu.dma_semaphore, #tpu.memory_space<semaphore_mem>>
      %dma_start3A_69 = tpu.memref_squeeze %dma_start3A_68 : memref<1x!tpu.dma_semaphore, #tpu.memory_space<semaphore_mem>> -> memref<!tpu.dma_semaphore, #tpu.memory_space<semaphore_mem>>
      %dma_start3A_70 = arith.constant 0 : i32
      %dma_start3A_71 = arith.constant 0 : i32
      %dma_start3A_72 = tpu.memref_slice %arg4[%select_n3A_62, %dma_start3A_67, %dma_start3A_70, %dma_start3A_71] : memref<2x4x31x8064xf32, #tpu.memory_space<vmem>> -> memref<1x1x31x8064xf32, #tpu.memory_space<vmem>>
      %dma_start3A_73 = tpu.memref_squeeze %dma_start3A_72 : memref<1x1x31x8064xf32, #tpu.memory_space<vmem>> -> memref<31x8064xf32, #tpu.memory_space<vmem>>
      %dma_start3A_74 = arith.constant 0 : i32
      %dma_start3A_75 = tpu.memref_slice %arg1[%dma_start3A_74, %add3A_66] : memref<31x1000000xf32, #tpu.memory_space<any>> -> memref<31x8064xf32, #tpu.memory_space<any>>
      tpu.enqueue_dma source(%dma_start3A_75 : memref<31x8064xf32, #tpu.memory_space<any>>) target(%dma_start3A_73 : memref<31x8064xf32, #tpu.memory_space<vmem>>) target_semaphore(%dma_start3A_69 : memref<!tpu.dma_semaphore, #tpu.memory_space<semaphore_mem>>)
      %add3A_76 = arith.constant 1 : i32
      %add3A_77 = arith.addi %arg0, %add3A_76 : i32
      %add3A_78 = arith.constant 1 : i32
      %add3A_79 = arith.addi %arg0, %add3A_78 : i32
      %jit3A_80 = arith.constant 2 : i32
      %eq3A_81 = arith.constant 0 : i32
      %eq3A_82 = arith.cmpi eq, %jit3A_80, %eq3A_81 : i32
      %jit3A_83 = arith.constant 1 : i32
      %select_n3A_84 = arith.select %eq3A_82, %jit3A_83, %jit3A_80 : i32
      %rem3A_85 = arith.remsi %add3A_79, %select_n3A_84 : i32
      %ne3A_86 = arith.constant 0 : i32
      %ne3A_87 = arith.cmpi ne, %rem3A_85, %ne3A_86 : i32
      %lt3A_88 = arith.constant 0 : i32
      %lt3A_89 = arith.cmpi slt, %rem3A_85, %lt3A_88 : i32
      %lt3A_90 = arith.constant 0 : i32
      %lt3A_91 = arith.cmpi slt, %select_n3A_84, %lt3A_90 : i32
      %ne3A_92 = arith.xori %lt3A_89, %lt3A_91 : i1
      %and3A_93 = arith.andi %ne3A_92, %ne3A_87 : i1
      %add3A_94 = arith.addi %rem3A_85, %select_n3A_84 : i32
      %select_n3A_95 = arith.select %and3A_93, %add3A_94, %rem3A_85 : i32
      %mul3A_96 = arith.constant 8064 : i32
      %mul3A_97 = arith.muli %add3A_77, %mul3A_96 : i32
      %add3A_98 = arith.constant 499968 : i32
      %add3A_99 = arith.addi %add3A_98, %mul3A_97 : i32
      %dma_start3A_100 = arith.constant 2 : i32
      %dma_start3A_101 = tpu.memref_slice %arg5[%select_n3A_95] : memref<2x!tpu.dma_semaphore, #tpu.memory_space<semaphore_mem>> -> memref<1x!tpu.dma_semaphore, #tpu.memory_space<semaphore_mem>>
      %dma_start3A_102 = tpu.memref_squeeze %dma_start3A_101 : memref<1x!tpu.dma_semaphore, #tpu.memory_space<semaphore_mem>> -> memref<!tpu.dma_semaphore, #tpu.memory_space<semaphore_mem>>
      %dma_start3A_103 = arith.constant 0 : i32
      %dma_start3A_104 = arith.constant 0 : i32
      %dma_start3A_105 = tpu.memref_slice %arg4[%select_n3A_95, %dma_start3A_100, %dma_start3A_103, %dma_start3A_104] : memref<2x4x31x8064xf32, #tpu.memory_space<vmem>> -> memref<1x1x31x8064xf32, #tpu.memory_space<vmem>>
      %dma_start3A_106 = tpu.memref_squeeze %dma_start3A_105 : memref<1x1x31x8064xf32, #tpu.memory_space<vmem>> -> memref<31x8064xf32, #tpu.memory_space<vmem>>
      %dma_start3A_107 = arith.constant 0 : i32
      %dma_start3A_108 = tpu.memref_slice %arg1[%dma_start3A_107, %add3A_99] : memref<31x1000000xf32, #tpu.memory_space<any>> -> memref<31x8064xf32, #tpu.memory_space<any>>
      tpu.enqueue_dma source(%dma_start3A_108 : memref<31x8064xf32, #tpu.memory_space<any>>) target(%dma_start3A_106 : memref<31x8064xf32, #tpu.memory_space<vmem>>) target_semaphore(%dma_start3A_102 : memref<!tpu.dma_semaphore, #tpu.memory_space<semaphore_mem>>)
      %add3A_109 = arith.constant 1 : i32
      %add3A_110 = arith.addi %arg0, %add3A_109 : i32
      %add3A_111 = arith.constant 1 : i32
      %add3A_112 = arith.addi %arg0, %add3A_111 : i32
      %jit3A_113 = arith.constant 2 : i32
      %eq3A_114 = arith.constant 0 : i32
      %eq3A_115 = arith.cmpi eq, %jit3A_113, %eq3A_114 : i32
      %jit3A_116 = arith.constant 1 : i32
      %select_n3A_117 = arith.select %eq3A_115, %jit3A_116, %jit3A_113 : i32
      %rem3A_118 = arith.remsi %add3A_112, %select_n3A_117 : i32
      %ne3A_119 = arith.constant 0 : i32
      %ne3A_120 = arith.cmpi ne, %rem3A_118, %ne3A_119 : i32
      %lt3A_121 = arith.constant 0 : i32
      %lt3A_122 = arith.cmpi slt, %rem3A_118, %lt3A_121 : i32
      %lt3A_123 = arith.constant 0 : i32
      %lt3A_124 = arith.cmpi slt, %select_n3A_117, %lt3A_123 : i32
      %ne3A_125 = arith.xori %lt3A_122, %lt3A_124 : i1
      %and3A_126 = arith.andi %ne3A_125, %ne3A_120 : i1
      %add3A_127 = arith.addi %rem3A_118, %select_n3A_117 : i32
      %select_n3A_128 = arith.select %and3A_126, %add3A_127, %rem3A_118 : i32
      %mul3A_129 = arith.constant 8064 : i32
      %mul3A_130 = arith.muli %add3A_110, %mul3A_129 : i32
      %add3A_131 = arith.constant 749952 : i32
      %add3A_132 = arith.addi %add3A_131, %mul3A_130 : i32
      %dma_start3A_133 = arith.constant 3 : i32
      %dma_start3A_134 = tpu.memref_slice %arg5[%select_n3A_128] : memref<2x!tpu.dma_semaphore, #tpu.memory_space<semaphore_mem>> -> memref<1x!tpu.dma_semaphore, #tpu.memory_space<semaphore_mem>>
      %dma_start3A_135 = tpu.memref_squeeze %dma_start3A_134 : memref<1x!tpu.dma_semaphore, #tpu.memory_space<semaphore_mem>> -> memref<!tpu.dma_semaphore, #tpu.memory_space<semaphore_mem>>
      %dma_start3A_136 = arith.constant 0 : i32
      %dma_start3A_137 = arith.constant 0 : i32
      %dma_start3A_138 = tpu.memref_slice %arg4[%select_n3A_128, %dma_start3A_133, %dma_start3A_136, %dma_start3A_137] : memref<2x4x31x8064xf32, #tpu.memory_space<vmem>> -> memref<1x1x31x8064xf32, #tpu.memory_space<vmem>>
      %dma_start3A_139 = tpu.memref_squeeze %dma_start3A_138 : memref<1x1x31x8064xf32, #tpu.memory_space<vmem>> -> memref<31x8064xf32, #tpu.memory_space<vmem>>
      %dma_start3A_140 = arith.constant 0 : i32
      %dma_start3A_141 = tpu.memref_slice %arg1[%dma_start3A_140, %add3A_132] : memref<31x1000000xf32, #tpu.memory_space<any>> -> memref<31x8064xf32, #tpu.memory_space<any>>
      tpu.enqueue_dma source(%dma_start3A_141 : memref<31x8064xf32, #tpu.memory_space<any>>) target(%dma_start3A_139 : memref<31x8064xf32, #tpu.memory_space<vmem>>) target_semaphore(%dma_start3A_135 : memref<!tpu.dma_semaphore, #tpu.memory_space<semaphore_mem>>)
    } else {
    }
    %lt3A_7 = arith.constant 31 : i32
    %lt3A_8 = arith.cmpi slt, %arg0, %lt3A_7 : i32
    %convert_element_type3A_9 = arith.extui %lt3A_8 : i1 to i32
    %cond3A_10 = arith.constant 0 : i32
    %cond3A_11 = arith.cmpi ne, %convert_element_type3A_9, %cond3A_10 : i32
    scf.if %cond3A_11 {
      %jit3A = arith.constant 2 : i32
      %eq3A_17 = arith.constant 0 : i32
      %eq3A_18 = arith.cmpi eq, %jit3A, %eq3A_17 : i32
      %jit3A_19 = arith.constant 1 : i32
      %select_n3A = arith.select %eq3A_18, %jit3A_19, %jit3A : i32
      %rem3A = arith.remsi %arg0, %select_n3A : i32
      %ne3A = arith.constant 0 : i32
      %ne3A_20 = arith.cmpi ne, %rem3A, %ne3A : i32
      %lt3A_21 = arith.constant 0 : i32
      %lt3A_22 = arith.cmpi slt, %rem3A, %lt3A_21 : i32
      %lt3A_23 = arith.constant 0 : i32
      %lt3A_24 = arith.cmpi slt, %select_n3A, %lt3A_23 : i32
      %ne3A_25 = arith.xori %lt3A_22, %lt3A_24 : i1
      %and3A = arith.andi %ne3A_25, %ne3A_20 : i1
      %add3A_26 = arith.addi %rem3A, %select_n3A : i32
      %select_n3A_27 = arith.select %and3A, %add3A_26, %rem3A : i32
      %mul3A = arith.constant 8064 : i32
      %mul3A_28 = arith.muli %arg0, %mul3A : i32
      %add3A_29 = arith.constant 0 : i32
      %add3A_30 = arith.addi %add3A_29, %mul3A_28 : i32
      %dma_wait3A = arith.constant 0 : i32
      %dma_wait3A_31 = tpu.memref_slice %arg5[%select_n3A_27] : memref<2x!tpu.dma_semaphore, #tpu.memory_space<semaphore_mem>> -> memref<1x!tpu.dma_semaphore, #tpu.memory_space<semaphore_mem>>
      %dma_wait3A_32 = tpu.memref_squeeze %dma_wait3A_31 : memref<1x!tpu.dma_semaphore, #tpu.memory_space<semaphore_mem>> -> memref<!tpu.dma_semaphore, #tpu.memory_space<semaphore_mem>>
      %dma_wait3A_33 = arith.constant 0 : i32
      %dma_wait3A_34 = arith.constant 0 : i32
      %dma_wait3A_35 = tpu.memref_slice %arg4[%select_n3A_27, %dma_wait3A, %dma_wait3A_33, %dma_wait3A_34] : memref<2x4x31x8064xf32, #tpu.memory_space<vmem>> -> memref<1x1x31x8064xf32, #tpu.memory_space<vmem>>
      %dma_wait3A_36 = tpu.memref_squeeze %dma_wait3A_35 : memref<1x1x31x8064xf32, #tpu.memory_space<vmem>> -> memref<31x8064xf32, #tpu.memory_space<vmem>>
      %dma_wait3A_37 = arith.constant 0 : i32
      %dma_wait3A_38 = tpu.memref_slice %arg1[%dma_wait3A_37, %add3A_30] : memref<31x1000000xf32, #tpu.memory_space<any>> -> memref<31x8064xf32, #tpu.memory_space<any>>
      tpu.wait_dma2 semaphore(%dma_wait3A_32 : memref<!tpu.dma_semaphore, #tpu.memory_space<semaphore_mem>>) src(%dma_wait3A_38 : memref<31x8064xf32, #tpu.memory_space<any>>) dst(%dma_wait3A_36 : memref<31x8064xf32, #tpu.memory_space<vmem>>)
      %mul3A_39 = arith.constant 8064 : i32
      %mul3A_40 = arith.muli %arg0, %mul3A_39 : i32
      %add3A_41 = arith.constant 249984 : i32
      %add3A_42 = arith.addi %add3A_41, %mul3A_40 : i32
      %dma_wait3A_43 = arith.constant 1 : i32
      %dma_wait3A_44 = tpu.memref_slice %arg5[%select_n3A_27] : memref<2x!tpu.dma_semaphore, #tpu.memory_space<semaphore_mem>> -> memref<1x!tpu.dma_semaphore, #tpu.memory_space<semaphore_mem>>
      %dma_wait3A_45 = tpu.memref_squeeze %dma_wait3A_44 : memref<1x!tpu.dma_semaphore, #tpu.memory_space<semaphore_mem>> -> memref<!tpu.dma_semaphore, #tpu.memory_space<semaphore_mem>>
      %dma_wait3A_46 = arith.constant 0 : i32
      %dma_wait3A_47 = arith.constant 0 : i32
      %dma_wait3A_48 = tpu.memref_slice %arg4[%select_n3A_27, %dma_wait3A_43, %dma_wait3A_46, %dma_wait3A_47] : memref<2x4x31x8064xf32, #tpu.memory_space<vmem>> -> memref<1x1x31x8064xf32, #tpu.memory_space<vmem>>
      %dma_wait3A_49 = tpu.memref_squeeze %dma_wait3A_48 : memref<1x1x31x8064xf32, #tpu.memory_space<vmem>> -> memref<31x8064xf32, #tpu.memory_space<vmem>>
      %dma_wait3A_50 = arith.constant 0 : i32
      %dma_wait3A_51 = tpu.memref_slice %arg1[%dma_wait3A_50, %add3A_42] : memref<31x1000000xf32, #tpu.memory_space<any>> -> memref<31x8064xf32, #tpu.memory_space<any>>
      tpu.wait_dma2 semaphore(%dma_wait3A_45 : memref<!tpu.dma_semaphore, #tpu.memory_space<semaphore_mem>>) src(%dma_wait3A_51 : memref<31x8064xf32, #tpu.memory_space<any>>) dst(%dma_wait3A_49 : memref<31x8064xf32, #tpu.memory_space<vmem>>)
      %mul3A_52 = arith.constant 8064 : i32
      %mul3A_53 = arith.muli %arg0, %mul3A_52 : i32
      %add3A_54 = arith.constant 499968 : i32
      %add3A_55 = arith.addi %add3A_54, %mul3A_53 : i32
      %dma_wait3A_56 = arith.constant 2 : i32
      %dma_wait3A_57 = tpu.memref_slice %arg5[%select_n3A_27] : memref<2x!tpu.dma_semaphore, #tpu.memory_space<semaphore_mem>> -> memref<1x!tpu.dma_semaphore, #tpu.memory_space<semaphore_mem>>
      %dma_wait3A_58 = tpu.memref_squeeze %dma_wait3A_57 : memref<1x!tpu.dma_semaphore, #tpu.memory_space<semaphore_mem>> -> memref<!tpu.dma_semaphore, #tpu.memory_space<semaphore_mem>>
      %dma_wait3A_59 = arith.constant 0 : i32
      %dma_wait3A_60 = arith.constant 0 : i32
      %dma_wait3A_61 = tpu.memref_slice %arg4[%select_n3A_27, %dma_wait3A_56, %dma_wait3A_59, %dma_wait3A_60] : memref<2x4x31x8064xf32, #tpu.memory_space<vmem>> -> memref<1x1x31x8064xf32, #tpu.memory_space<vmem>>
      %dma_wait3A_62 = tpu.memref_squeeze %dma_wait3A_61 : memref<1x1x31x8064xf32, #tpu.memory_space<vmem>> -> memref<31x8064xf32, #tpu.memory_space<vmem>>
      %dma_wait3A_63 = arith.constant 0 : i32
      %dma_wait3A_64 = tpu.memref_slice %arg1[%dma_wait3A_63, %add3A_55] : memref<31x1000000xf32, #tpu.memory_space<any>> -> memref<31x8064xf32, #tpu.memory_space<any>>
      tpu.wait_dma2 semaphore(%dma_wait3A_58 : memref<!tpu.dma_semaphore, #tpu.memory_space<semaphore_mem>>) src(%dma_wait3A_64 : memref<31x8064xf32, #tpu.memory_space<any>>) dst(%dma_wait3A_62 : memref<31x8064xf32, #tpu.memory_space<vmem>>)
      %mul3A_65 = arith.constant 8064 : i32
      %mul3A_66 = arith.muli %arg0, %mul3A_65 : i32
      %add3A_67 = arith.constant 749952 : i32
      %add3A_68 = arith.addi %add3A_67, %mul3A_66 : i32
      %dma_wait3A_69 = arith.constant 3 : i32
      %dma_wait3A_70 = tpu.memref_slice %arg5[%select_n3A_27] : memref<2x!tpu.dma_semaphore, #tpu.memory_space<semaphore_mem>> -> memref<1x!tpu.dma_semaphore, #tpu.memory_space<semaphore_mem>>
      %dma_wait3A_71 = tpu.memref_squeeze %dma_wait3A_70 : memref<1x!tpu.dma_semaphore, #tpu.memory_space<semaphore_mem>> -> memref<!tpu.dma_semaphore, #tpu.memory_space<semaphore_mem>>
      %dma_wait3A_72 = arith.constant 0 : i32
      %dma_wait3A_73 = arith.constant 0 : i32
      %dma_wait3A_74 = tpu.memref_slice %arg4[%select_n3A_27, %dma_wait3A_69, %dma_wait3A_72, %dma_wait3A_73] : memref<2x4x31x8064xf32, #tpu.memory_space<vmem>> -> memref<1x1x31x8064xf32, #tpu.memory_space<vmem>>
      %dma_wait3A_75 = tpu.memref_squeeze %dma_wait3A_74 : memref<1x1x31x8064xf32, #tpu.memory_space<vmem>> -> memref<31x8064xf32, #tpu.memory_space<vmem>>
      %dma_wait3A_76 = arith.constant 0 : i32
      %dma_wait3A_77 = tpu.memref_slice %arg1[%dma_wait3A_76, %add3A_68] : memref<31x1000000xf32, #tpu.memory_space<any>> -> memref<31x8064xf32, #tpu.memory_space<any>>
      tpu.wait_dma2 semaphore(%dma_wait3A_71 : memref<!tpu.dma_semaphore, #tpu.memory_space<semaphore_mem>>) src(%dma_wait3A_77 : memref<31x8064xf32, #tpu.memory_space<any>>) dst(%dma_wait3A_75 : memref<31x8064xf32, #tpu.memory_space<vmem>>)
      %iota3A = tpu.iota {dimensions = array<i32: 0>} : vector<31x32xi32>
      %iota3A_78 = tpu.iota {dimensions = array<i32: 1>} : vector<31x32xi32>
      %eq3A_79 = arith.cmpi eq, %iota3A, %iota3A_78 : vector<31x32xi32>
      %convert_element_type3A_80 = arith.extui %eq3A_79 : vector<31x32xi1> to vector<31x32xi32>
      %convert_element_type3A_81 = arith.sitofp %convert_element_type3A_80 : vector<31x32xi32> to vector<31x32xf32>
      %get3A = arith.index_cast %select_n3A_27 : i32 to index
      %get3A_82 = arith.constant 0 : index
      %get3A_83 = arith.constant 0 : index
      %get3A_84 = arith.constant 0 : index
      %get3A_85 = vector.load %arg4[%get3A, %get3A_82, %get3A_83, %get3A_84] : memref<2x4x31x8064xf32, #tpu.memory_space<vmem>>, vector<1x1x31x8064xf32>
      %get3A_86 = vector.shape_cast %get3A_85 : vector<1x1x31x8064xf32> to vector<31x8064xf32>
      %dot_general3A = arith.constant dense<0.000000e+00> : vector<8064x32xf32>
      %dot_general3A_87 = tpu.matmul %get3A_86, %convert_element_type3A_81, %dot_general3A {dimension_numbers = #tpu.dot_dimension_numbers<[0], [0], [1], [1], [0, 1, 1, 1], [], []>, transpose_lhs_hint = false} : vector<31x8064xf32>, vector<31x32xf32>, vector<8064x32xf32> -> vector<8064x32xf32>
      %swap3A = arith.constant 0 : index
      %swap3A_88 = arith.constant 0 : index
      %swap3A_89 = vector.load %arg3[%swap3A, %swap3A_88] : memref<8064x128xf32, #tpu.memory_space<vmem>>, vector<8064x32xf32>
      tpu.vector_store %arg3[%swap3A, %swap3A_88], %dot_general3A_87 {strides = array<i32>} : memref<8064x128xf32, #tpu.memory_space<vmem>>, vector<8064x32xf32>,
      %get3A_90 = arith.index_cast %select_n3A_27 : i32 to index
      %get3A_91 = arith.constant 1 : index
      %get3A_92 = arith.constant 0 : index
      %get3A_93 = arith.constant 0 : index
      %get3A_94 = vector.load %arg4[%get3A_90, %get3A_91, %get3A_92, %get3A_93] : memref<2x4x31x8064xf32, #tpu.memory_space<vmem>>, vector<1x1x31x8064xf32>
      %get3A_95 = vector.shape_cast %get3A_94 : vector<1x1x31x8064xf32> to vector<31x8064xf32>
      %dot_general3A_96 = arith.constant dense<0.000000e+00> : vector<8064x32xf32>
      %dot_general3A_97 = tpu.matmul %get3A_95, %convert_element_type3A_81, %dot_general3A_96 {dimension_numbers = #tpu.dot_dimension_numbers<[0], [0], [1], [1], [0, 1, 1, 1], [], []>, transpose_lhs_hint = false} : vector<31x8064xf32>, vector<31x32xf32>, vector<8064x32xf32> -> vector<8064x32xf32>
      %swap3A_98 = arith.constant 0 : index
      %swap3A_99 = arith.constant 32 : index
      %swap3A_100 = vector.load %arg3[%swap3A_98, %swap3A_99] : memref<8064x128xf32, #tpu.memory_space<vmem>>, vector<8064x32xf32>
      tpu.vector_store %arg3[%swap3A_98, %swap3A_99], %dot_general3A_97 {strides = array<i32>} : memref<8064x128xf32, #tpu.memory_space<vmem>>, vector<8064x32xf32>,
      %get3A_101 = arith.index_cast %select_n3A_27 : i32 to index
      %get3A_102 = arith.constant 2 : index
      %get3A_103 = arith.constant 0 : index
      %get3A_104 = arith.constant 0 : index
      %get3A_105 = vector.load %arg4[%get3A_101, %get3A_102, %get3A_103, %get3A_104] : memref<2x4x31x8064xf32, #tpu.memory_space<vmem>>, vector<1x1x31x8064xf32>
      %get3A_106 = vector.shape_cast %get3A_105 : vector<1x1x31x8064xf32> to vector<31x8064xf32>
      %dot_general3A_107 = arith.constant dense<0.000000e+00> : vector<8064x32xf32>
      %dot_general3A_108 = tpu.matmul %get3A_106, %convert_element_type3A_81, %dot_general3A_107 {dimension_numbers = #tpu.dot_dimension_numbers<[0], [0], [1], [1], [0, 1, 1, 1], [], []>, transpose_lhs_hint = false} : vector<31x8064xf32>, vector<31x32xf32>, vector<8064x32xf32> -> vector<8064x32xf32>
      %swap3A_109 = arith.constant 0 : index
      %swap3A_110 = arith.constant 64 : index
      %swap3A_111 = vector.load %arg3[%swap3A_109, %swap3A_110] : memref<8064x128xf32, #tpu.memory_space<vmem>>, vector<8064x32xf32>
      tpu.vector_store %arg3[%swap3A_109, %swap3A_110], %dot_general3A_108 {strides = array<i32>} : memref<8064x128xf32, #tpu.memory_space<vmem>>, vector<8064x32xf32>,
      %get3A_112 = arith.index_cast %select_n3A_27 : i32 to index
      %get3A_113 = arith.constant 3 : index
      %get3A_114 = arith.constant 0 : index
      %get3A_115 = arith.constant 0 : index
      %get3A_116 = vector.load %arg4[%get3A_112, %get3A_113, %get3A_114, %get3A_115] : memref<2x4x31x8064xf32, #tpu.memory_space<vmem>>, vector<1x1x31x8064xf32>
      %get3A_117 = vector.shape_cast %get3A_116 : vector<1x1x31x8064xf32> to vector<31x8064xf32>
      %dot_general3A_118 = arith.constant dense<0.000000e+00> : vector<8064x32xf32>
      %dot_general3A_119 = tpu.matmul %get3A_117, %convert_element_type3A_81, %dot_general3A_118 {dimension_numbers = #tpu.dot_dimension_numbers<[0], [0], [1], [1], [0, 1, 1, 1], [], []>, transpose_lhs_hint = false} : vector<31x8064xf32>, vector<31x32xf32>, vector<8064x32xf32> -> vector<8064x32xf32>
      %swap3A_120 = arith.constant 0 : index
      %swap3A_121 = arith.constant 96 : index
      %swap3A_122 = vector.load %arg3[%swap3A_120, %swap3A_121] : memref<8064x128xf32, #tpu.memory_space<vmem>>, vector<8064x32xf32>
      tpu.vector_store %arg3[%swap3A_120, %swap3A_121], %dot_general3A_119 {strides = array<i32>} : memref<8064x128xf32, #tpu.memory_space<vmem>>, vector<8064x32xf32>,
    } else {
    }
    %eq3A_12 = arith.constant 31 : i32
    %eq3A_13 = arith.cmpi eq, %arg0, %eq3A_12 : i32
    %convert_element_type3A_14 = arith.extui %eq3A_13 : i1 to i32
    %cond3A_15 = arith.constant 0 : i32
    %cond3A_16 = arith.cmpi ne, %convert_element_type3A_14, %cond3A_15 : i32
    scf.if %cond3A_16 {
      %get3A = arith.constant 0 : index
      %get3A_17 = arith.constant 0 : index
      %get3A_18 = vector.load %arg2[%get3A, %get3A_17] : memref<64x32xf32, #tpu.memory_space<vmem>>, vector<64x32xf32>
      %jit3A = arith.constant 0 : i32
      %convert_element_type3A_19 = arith.sitofp %jit3A : i32 to f32
      %pad3A = vector.broadcast %convert_element_type3A_19 : f32 to vector<8000x32xf32>
      %pad3A_20 = tpu.concatenate %get3A_18, %pad3A in 0 : vector<64x32xf32>, vector<8000x32xf32> -> vector<8064x32xf32>
      %pad3A_21 = vector.broadcast %convert_element_type3A_19 : f32 to vector<8064x96xf32>
      %pad3A_22 = tpu.concatenate %pad3A_20, %pad3A_21 in 1 : vector<8064x32xf32>, vector<8064x96xf32> -> vector<8064x128xf32>
      %swap3A = arith.constant 0 : index
      %swap3A_23 = arith.constant 0 : index
      %swap3A_24 = vector.load %arg3[%swap3A, %swap3A_23] : memref<8064x128xf32, #tpu.memory_space<vmem>>, vector<8064x128xf32>
      tpu.vector_store %arg3[%swap3A, %swap3A_23], %pad3A_22 {strides = array<i32>} : memref<8064x128xf32, #tpu.memory_space<vmem>>, vector<8064x128xf32>,
    } else {
    }
    return
  }
  func.func @transform_1(%arg0: i32) -> (i32, i32) {
    %c0_i32 = arith.constant 0 : i32
    %c0_i32_0 = arith.constant 0 : i32
    %c0_i32_1 = arith.constant 0 : i32
    return %c0_i32, %c0_i32_0 : i32, i32
  }
  func.func @transform_2(%arg0: i32) -> (i32, i32) {
    %c0_i32 = arith.constant 0 : i32
    %c0_i32_0 = arith.constant 0 : i32
    return %arg0, %c0_i32 : i32, i32
  }
}

module attributes {stable_mosaic.version = 14 : i64} {
  func.func @mm(%arg0: i32, %arg1: memref<2048x32xf32, #tpu.memory_space<vmem>>, %arg2: memref<32x128xf32, #tpu.memory_space<vmem>>, %arg3: memref<2048x128xf32, #tpu.memory_space<vmem>>) attributes {dimension_semantics = [#tpu.dimension_semantics<arbitrary>], iteration_bounds = array<i64: 52>, scalar_prefetch = 0 : i64, scratch_operands = 0 : i64, tpu.core_type = #tpu.core_type<tc>, window_params = [{transform_indices = @transform_0, window_bounds = array<i64: 2048, 32>}, {pipeline_mode = #tpu.pipeline_mode<synchronous>, transform_indices = @transform_1, window_bounds = array<i64: 32, 128>}, {transform_indices = @transform_2, window_bounds = array<i64: 2048, 128>}]} {
    %get3A = arith.constant 0 : index
    %get3A_0 = arith.constant 0 : index
    %get3A_1 = vector.load %arg1[%get3A, %get3A_0] : memref<2048x32xf32, #tpu.memory_space<vmem>>, vector<2048x32xf32>
    %get3A_2 = arith.constant 0 : index
    %get3A_3 = arith.constant 0 : index
    %get3A_4 = vector.load %arg2[%get3A_2, %get3A_3] : memref<32x128xf32, #tpu.memory_space<vmem>>, vector<32x128xf32>
    %dot_general3A = arith.constant dense<0.000000e+00> : vector<2048x128xf32>
    %dot_general3A_5 = tpu.matmul %get3A_1, %get3A_4, %dot_general3A {dimension_numbers = #tpu.dot_dimension_numbers<[1], [0], [0], [1], [0, 0, 1, 1], [], []>, transpose_lhs_hint = false} : vector<2048x32xf32>, vector<32x128xf32>, vector<2048x128xf32> -> vector<2048x128xf32>
    %swap3A = arith.constant 0 : index
    %swap3A_6 = arith.constant 0 : index
    %swap3A_7 = vector.load %arg3[%swap3A, %swap3A_6] : memref<2048x128xf32, #tpu.memory_space<vmem>>, vector<2048x128xf32>
    tpu.vector_store %arg3[%swap3A, %swap3A_6], %dot_general3A_5 {strides = array<i32>} : memref<2048x128xf32, #tpu.memory_space<vmem>>, vector<2048x128xf32>,
    return
  }
  func.func @transform_0(%arg0: i32) -> (i32, i32) {
    %c0_i32 = arith.constant 0 : i32
    %c0_i32_0 = arith.constant 0 : i32
    return %arg0, %c0_i32 : i32, i32
  }
  func.func @transform_1(%arg0: i32) -> (i32, i32) {
    %c0_i32 = arith.constant 0 : i32
    %c0_i32_0 = arith.constant 0 : i32
    %c0_i32_1 = arith.constant 0 : i32
    return %c0_i32, %c0_i32_0 : i32, i32
  }
  func.func @transform_2(%arg0: i32) -> (i32, i32) {
    %c0_i32 = arith.constant 0 : i32
    %c0_i32_0 = arith.constant 0 : i32
    return %arg0, %c0_i32 : i32, i32
  }
}

</mosaic_0001>

<sc_bundles>
// kernel: kernel.5.cloned.1.call-start
scs
__scs_entry_jumppad:
0x0: {  	(pc) =	sbr.rel $0x88, $3  }
0x1: {  	(tag) =	ssettag $0x0;
	lr =	simm.s32 $0x1  }
0x2: {  	[smem:$0x3F9E] =	sst lr;
	_ =	strace $0xD0000000  }
0x3: {  	_ = 	snop  }
0x4: {  	_ = 	snop  }
0x5: {  	_ = 	snop  }
0x6: {  	_ = 	snop  }
0x7: {  	_ = 	snop  }
__scs_overlays_trampoline_lowered:
0x8: {  	[smem:$0x3FAD] =	sst s0  }
0x9: {  	[smem:$0x3FAE] =	sst s1  }
0xa: {  	[smem:$0x3FAF] =	sst s2  }
0xb: {  	[smem:$0x3FB0] =	sst s3  }
0xc: {  	[smem:$0x3FB1] =	sst s4  }
0xd: {  	[smem:$0x3FB2] =	sst s5  }
0xe: {  	[smem:$0x3FB3] =	sst s6  }
0xf: {  	[smem:$0x3FB4] =	sst s7  }
0x10: {  	[smem:$0x3FB5] =	sst s8  }
0x11: {  	[smem:$0x3FB6] =	sst s9;
	s0 =	simm.s32 @!p0 $0x0  }
0x12: {  	s1 =	sld [smem:$0x3F9C];
	s0 =	simm.s32 @p0 $0x1  }
0x13: {  	[smem:$0x3FB7] =	sst s0;
	s0 =	simm.s32 @!p1 $0x0  }
0x14: {  	s2 =	sld [smem:$0x3F9B];
	s0 =	simm.s32 @p1 $0x1  }
0x15: {  	[smem:$0x3FB8] =	sst s0;
	s0 =	simm.s32 @!p2 $0x0  }
0x16: {  	s3 =	sld [smem:$0x3FDB];
	s0 =	simm.s32 @p2 $0x1  }
0x17: {  	s4 =	simm.s32 $0x1BF5;
	[smem:$0x3FBA] =	sst s0  }
0x18: {  	s0 =	sld [smem:$0x3F9D];
	_ =	swait.ge [sflag:s4], $0x0  }
0x19: {  	s7 =	sld [smem:$0x3F9E]  }
0x1a: {  	s8 =	sadd.s32 $0xFFFFE003, lr  }
0x1b: {  	s9 =	sadd.s32 $0xFFFFFEF7, lr;
	s5 =	simm.s32 $0xFFFFFFFF;
	p2 =	slt.u32 s8, $0xFFFFF086  }
0x1c: {  	p1 =	slt.u32 s9, $0xF7A;
	s5 =	simm.s32 @!p2 $0x0  }
0x1d: {  	s5 =	simm.s32 @p1 $0x1;
	p0 =	seq.s32 s7, s2  }
0x1e: {  	s7 =	smul.u32 @!p0 $0xF7A, s2;
	p2 =	seq.s32 @!p0 s5, $0x0  }
0x1f: {  	s9 =	smul.u32 $0xF7A, s1;
	s8 =	simm.s32 @!p0 $0x1BF5;
	p2 =	por !p2, p0  }
0x20: {  	[sflag:s8] =	ssyncset.s32 @!p0 $0xFFFFF086;
	s6 =	sadd.s32 @!p0 s3, s7;
	s7 =	simm.s32 @!p0 $0x108  }
0x21: {  	s3 =	sadd.s32 s3, s9;
	s6 =	sadd.s32 @!p0 $0x88, s6;
	s7 =	simm.s32 @p2 $0x1082  }
0x22: {  	[simem:s7], [sflag:s8] =	dma.local @!p0 [hbm:s6], $0xF7A  }
0x23: {  	s9 =	sor.u32 $0xD0000000, s2;
	s6 =	simm.s32 $0x108;
	_ =	swait.ge @!p0 [sflag:s8], $0x0  }
0x24: {  	s3 =	sadd.s32 $0x88, s3;
	s6 =	simm.s32 @!p1 $0x1082;
	[sflag:s4] =	ssyncset.s32 $0xFFFFF086  }
0x25: {  	[simem:s6], [sflag:s4] =	dma.local [hbm:s3], $0xF7A  }
0x26: {  	[smem:$0x3F9E] =	sst s1;
	(tag) =	ssettag s2;
	_ =	strace s9  }
0x27: {  	s1 =	sld [smem:$0x3FAE]  }
0x28: {  	s2 =	sld [smem:$0x3FAF]  }
0x29: {  	s4 =	sld [smem:$0x3FB1]  }
0x2a: {  	p0 =	seq.s32 s5, $0x0;
	s5 =	sld [smem:$0x3FB2]  }
0x2b: {  	s6 =	sld [smem:$0x3FB3]  }
0x2c: {  	s7 =	sld [smem:$0x3FB4]  }
0x2d: {  	s3 =	simm.s32 $0x108;
	s8 =	sld [smem:$0x3FB5]  }
0x2e: {  	s3 =	simm.s32 @!p0 $0x1082;
	s9 =	sld [smem:$0x3FB6]  }
0x2f: {  	lr =	sadd.s32 s0, s3;
	s0 =	sld [smem:$0x3FAD]  }
0x30: {  	s3 =	sld [smem:$0x3FB0]  }
0x31: {  	[smem:$0x3FB9] =	sst s10  }
0x32: {  	s10 =	sld [smem:$0x3FB7];
	_ =	sdelay $0x3  }
0x33: {  	p0 =	seq.s32 s10, $0x1;
	s10 =	sld [smem:$0x3FB9];
	_ =	sdelay $0x3  }
0x34: {  	[smem:$0x3FB9] =	sst s10  }
0x35: {  	s10 =	sld [smem:$0x3FB8];
	_ =	sdelay $0x3  }
0x36: {  	p1 =	seq.s32 s10, $0x1;
	s10 =	sld [smem:$0x3FB9];
	_ =	sdelay $0x3  }
0x37: {  	[smem:$0x3FB9] =	sst s10  }
0x38: {  	s10 =	sld [smem:$0x3FBA]  }
0x39: {  	_ = 	snop;
	(pc) =	sbr.ind lr, $3  }
0x3a: {  	_ = 	snop  }
0x3b: {  	_ = 	snop  }
0x3c: {  	p2 =	seq.s32 s10, $0x1;
	s10 =	sld [smem:$0x3FB9]  }
0x3d: {  	_ =	shalt  }
0x3e: {  	_ =	shalt  }
0x3f: {  	_ =	shalt  }
0x40: {  	_ =	shalt  }
0x41: {  	_ =	shalt  }
0x42: {  	_ =	shalt  }
0x43: {  	_ =	shalt  }
0x44: {  	_ =	shalt  }
0x45: {  	_ =	shalt  }
0x46: {  	_ =	shalt  }
0x47: {  	_ =	shalt  }
0x48: {  	_ =	shalt  }
0x49: {  	_ =	shalt  }
0x4a: {  	_ =	shalt  }
0x4b: {  	_ =	shalt  }
0x4c: {  	_ =	shalt  }
0x4d: {  	_ =	shalt  }
0x4e: {  	_ =	shalt  }
0x4f: {  	_ =	shalt  }
0x50: {  	_ =	shalt  }
0x51: {  	_ =	shalt  }
0x52: {  	_ =	shalt  }
0x53: {  	_ =	shalt  }
0x54: {  	_ =	shalt  }
0x55: {  	_ =	shalt  }
0x56: {  	_ =	shalt  }
0x57: {  	_ =	shalt  }
0x58: {  	_ =	shalt  }
0x59: {  	_ =	shalt  }
0x5a: {  	_ =	shalt  }
0x5b: {  	_ =	shalt  }
0x5c: {  	_ =	shalt  }
0x5d: {  	_ =	shalt  }
0x5e: {  	_ =	shalt  }
0x5f: {  	_ =	shalt  }
0x60: {  	_ =	shalt  }
0x61: {  	_ =	shalt  }
0x62: {  	_ =	shalt  }
0x63: {  	_ =	shalt  }
0x64: {  	_ =	shalt  }
0x65: {  	_ =	shalt  }
0x66: {  	_ =	shalt  }
0x67: {  	_ =	shalt  }
0x68: {  	_ =	shalt  }
0x69: {  	_ =	shalt  }
0x6a: {  	_ =	shalt  }
0x6b: {  	_ =	shalt  }
0x6c: {  	_ =	shalt  }
0x6d: {  	_ =	shalt  }
0x6e: {  	_ =	shalt  }
0x6f: {  	_ =	shalt  }
0x70: {  	_ =	shalt  }
0x71: {  	_ =	shalt  }
0x72: {  	_ =	shalt  }
0x73: {  	_ =	shalt  }
0x74: {  	_ =	shalt  }
0x75: {  	_ =	shalt  }
0x76: {  	_ =	shalt  }
0x77: {  	_ =	shalt  }
0x78: {  	_ =	shalt  }
0x79: {  	_ =	shalt  }
0x7a: {  	_ =	shalt  }
0x7b: {  	_ =	shalt  }
0x7c: {  	_ =	shalt  }
0x7d: {  	_ =	shalt  }
0x7e: {  	_ =	shalt  }
0x7f: {  	_ =	shalt  }
0x80: {  	_ =	shalt  }
0x81: {  	_ =	shalt  }
0x82: {  	_ =	shalt  }
0x83: {  	_ =	shalt  }
0x84: {  	_ =	shalt  }
0x85: {  	_ =	shalt  }
0x86: {  	_ =	shalt  }
0x87: {  	_ =	shalt  }
.Lfunc_end0:
.L_simem_size_0:
called_computation_lowered:
.L_overlay_start_0:
0x88: {  	s2 =	sld [smem:$0x3FD9]  }
0x89: {  	s3 =	sld [smem:$0x3FFE];
	_ =	sdelay $0x1  }
0x8a: {  	s1 =	srdreg.scid  }
0x8b: {  	s0 =	sand.u32 $0x1, s1  }
0x8c: {  	s17 =	sshll.u32 s0, $0xA;
	s2 =	sadd.s32 s3, s2  }
0x8d: {  	s2 =	sadd.s32 s2, s17  }
0x8e: {  	[smem:$0x3FC5] =	sst s2  }
0x8f: {  	_ = 	snop  }
0x90: {  	s2 =	sld [smem:$0x3FD0];
	(tm) =	ssettm $0x1  }
0x91: {  	s18 =	sld [smem:$0x3FFB];
	_ =	sdelay $0x3  }
0x92: {  	_ =	strace s18  }
0x93: {  	s3 =	sld [smem:$0x3FFC];
	_ =	sdelay $0x3  }
0x94: {  	_ =	strace s3  }
0x95: {  	s3 =	sld [smem:$0x3FFD];
	_ =	sdelay $0x3  }
0x96: {  	_ =	strace s3  }
0x97: {  	_ =	strace $0x8FFFFFFF  }
0x98: {  	s19 =	sld [smem:$0x3FDB];
	_ =	sdelay $0x1  }
0x99: {  	s4 =	simm.s32 $_scs_section_size  }
0x9a: {  	s5 =	simm.s32 $_size__tile_overlayer_lowered;
	s6 =	simm.s32 $_tile_overlayer_lowered  }
0x9b: {  	s22 =	simm.s32 $0x1BFF;
	s21 =	sshll.u32 s6, $0x1;
	s3 =	sadd.s32 s4, s19  }
0x9c: {  	s7 =	simm.s32 $0x0;
	s20 =	sshll.u32 s5, $0x1;
	s5 =	sadd.s32 s21, s3  }
0x9d: {  	[timem:s7], [sflag:s22] =	dma.local [hbm:s5], s20  }
0x9e: {  	_ =	swait.ge [sflag:s22], s20  }
0x9f: {  	s4 =	ssub.s32 $0x0, s20;
	[sflag:s22] =	ssyncset.done $0x0  }
0xa0: {  	[sflag:s22] =	ssyncadd.s32 s4;
	_ =	sdelay $0x1  }
0xa1: {  	s23 =	simm.s32 $0x1B8B  }
0xa2: {  	_ =	swait.ge [sflag:s23], $0x1  }
0xa3: {  	[sflag:s23] =	ssyncset.done $0x0  }
0xa4: {  	s25 =	simm.s32 $0x1B8E;
	s24 =	sld [smem:$0x3FFE];
	[sflag:s23] =	ssyncadd.s32 $0xFFFFFFFF  }
0xa5: {  	s26 =	simm.s32 $execute0_lowered;
	[smem:$0x3FD2] =	sst s25  }
0xa6: {  	s5 =	sshll.u32 s26, $0x1;
	_ =	strace $0x80000046;
	[dreg:$0x1] =	wrdreg $0xFFFFFFFF  }
0xa7: {  	s28 =	simm.s32 $_size_execute0_lowered;
	s3 =	sadd.s32 s3, s5;
	[dreg:$0x0] =	wrdreg $0x0  }
0xa8: {  	s5 =	sshll.u32 s28, $0x1;
	[dreg:$0x2] =	wrdreg s3  }
0xa9: {  	[dreg:$0x3] =	wrdreg s5  }
0xaa: {  	[dreg:$0x4] =	wrdreg $0xC0  }
0xab: {  	_ =	task [dreg:s7], $0x5FFFF  }
0xac: {  	[dreg:$0x1] =	wrdreg $0xFFFFFFFF  }
0xad: {  	[dreg:$0x0] =	wrdreg $0x60  }
0xae: {  	[dreg:$0x2] =	wrdreg s24  }
0xaf: {  	[dreg:$0x3] =	wrdreg s2  }
0xb0: {  	[dreg:$0x4] =	wrdreg $0x9  }
0xb1: {  	_ =	task.clear_ibuf [dreg:s7], $0x5FFFF;
	_ =	strace $0x90000046  }
0xb2: {  	s29 =	simm.s32 $0x9;
	_ =	strace $0x80000048  }
0xb3: {  	_ =	swait.ge [sflag:s29], $0x1  }
0xb4: {  	[sflag:s29] =	ssyncadd.s32 $0xFFFFFFFF  }
0xb5: {  	_ =	strace $0x90000048  }
0xb6: {  	_ =	sfence  }
0xb7: {  	s30 =	sld [smem:$0x0];
	_ =	sdelay $0x2  }
0xb8: {  	s31 =	sshll.u32 s1, $0xD;
	s1 =	sshrl.u32 s1, $0x2  }
0xb9: {  	s3 =	sand.u32 $0x4000, s31;
	s1 =	sadd.s32 s1, s30  }
0xba: {  	s0 =	sor.u32 s3, s0;
	s1 =	sshll.u32 s1, $0x11  }
0xbb: {  	s0 =	sor.u32 s1, s0  }
0xbc: {  	s0 =	sadd.s32 $0x8F2B, s0  }
0xbd: {  	[sflag:s0] =	ssyncadd.remote.s32 $0x1  }
0xbe: {  	_ =	sfence.sel $0xFFFF  }
0xbf: {  	[dreg:$0x0] =	wrdreg $0xFFFFFFFF;
	(pc) =	sbr.abs _section_cstart, $3  }
0xc0: {  	[dreg:$0x1] =	wrdreg $0xFFFFFFFF  }
0xc1: {  	_ =	task.clear_ibuf [dreg:s7], $0x2FFFF;
	_ =	strace $0x9FFFFFFF  }
0xc2: {  	(tm) =	ssettm $0x7FFFFFFF  }
0xc3: {  	_ =	shalt  }
tec
execute0_lowered:
.L_overlay_start_1:
0x0: {  	(tag) =	ssettag $0x1  }
0x1: {  	s1 =	srdreg.scid;
	s3 =	rddreg [dreg:$0x0]  }
0x2: {  	s0 =	stileid.u32;
	s8 =	rddreg [dreg:$0x1];
	s2 =	simm.s32 $0x0  }
0x3: {  	s12 =	simm.s32 $0xD00;
	s13 =	simm.s32 $0x1;
	s9 =	smul.u32 $0x1A00, s0  }
0x4: {  	s14 =	simm.s32 $0x1D00;
	s6 =	sand.u32 $0x1, s1;
	s29 =	smul.u32 $0x6800, s0  }
0x5: {  	s15 =	simm.s32 $0x2;
	s25 =	sshll.u32 s0, $0x1;
	s11 =	smul.u32 $0xD00, s6  }
0x6: {  	s1 =	rddreg [dreg:$0x2];
	s4 =	sor.u32 s6, s25;
	s30 =	smul.u32 $0x3400, s6  }
0x7: {  	s16 =	simm.s32 $0x0;
	[smem:$0x7FF] =	sst s2;
	s5 =	smul.u32 $0xD00, s4  }
0x8: {  	_ =	strace $0x80000047;
	s28 =	ssub.s32 $0x2, s6;
	s7 =	smul.u32 $0x3400, s4  }
0x9: {  	s10 =	sshrl.u32 s28, $0x1;
	s9 =	sadd.s32 s11, s9;
	s11 =	simm.s32 $0x80  }
0xa: {  	s5 =	sshrl.u32 s5, $0x3;
	s6 =	sadd.s32 s8, s7;
	s9 =	sshll.u32 s9, $0x2  }
0xb: {  	s26 =	sadd.s32 s5, s3;
	s3 =	sadd.s32 $0xA00, s3;
	s5 =	ssub.s32 s28, s10  }
0xc: {  	s10 =	sadd.s32 s29, s8;
	s7 =	sadd.s32 $0x200, s6;
	s8 =	sadd.s32 s8, s9  }
0xd: {  	s4 =	sadd.s32 $0x3D1A00, s26;
	s5 =	smax.u32 s5, $0x1;
	s31 =	sadd.s32 s30, s10  }
0xe: {  	s8 =	sadd.s32 $0x600, s8;
	s10 =	simm.s32 $0x3;
	s9 =	sadd.s32 $0x400, s31  }
.LBB2_1:
0xf: {  	[tilespmem:s2], [sflag:$0x3] =	stream.linear.gather [hbm4b:s4+s2], $0xD00, $0x38;
	[tilespmem:$0x2D00] =	vst v63  }
0x10: {  	_ =	swait.ge [sflag:s10], $0xD00  }
0x11: {  	[sflag:s10] =	ssyncset.done $0x0  }
0x12: {  	[sflag:s10] =	ssyncadd.s32 $0xFFFFF300  }
0x13: {  	[tilespmem:s12], [sflag:$0x1] =	stream.indirect.gather [hbm4b:s3+s11], $0x20, s2, s11, $0xb8;
	[tilespmem:$0x2D00] =	vst v63  }
0x14: {  	_ =	swait.ge [sflag:s13], $0x1000  }
0x15: {  	[sflag:s13] =	ssyncset.done $0x0  }
0x16: {  	[sflag:s13] =	ssyncadd.s32 $0xFFFFF000  }
0x17: {  	[hbm4b:s6+s2] =	stream.linear.scatter [tilespmem:s12], [sflag:$0x2], $0x1000, $0x38;
	[tilespmem:$0x2D00] =	vst v63  }
0x18: {  	_ = 	snop  }
0x19: {  	[tilespmem:s14], [sflag:$0x1] =	stream.indirect.gather [hbm4b:s3+s11], $0x20, s11, s11, $0xb8;
	[tilespmem:$0x2D00] =	vst v63  }
0x1a: {  	_ =	swait.ge [sflag:s13], $0x1000  }
0x1b: {  	[sflag:s13] =	ssyncset.done $0x0  }
0x1c: {  	[sflag:s13] =	ssyncadd.s32 $0xFFFFF000  }
0x1d: {  	[hbm4b:s7+s2] =	stream.linear.scatter [tilespmem:s14], [sflag:$0x2], $0x1000, $0x38;
	[tilespmem:$0x2D00] =	vst v63  }
0x1e: {  	_ =	swait.ge [sflag:s15], $0x1000  }
0x1f: {  	[sflag:s15] =	ssyncset.done $0x0  }
0x20: {  	s17 =	simm.s32 $0x100;
	[sflag:s15] =	ssyncadd.s32 $0xFFFFF000  }
0x21: {  	[tilespmem:s12], [sflag:$0x1] =	stream.indirect.gather [hbm4b:s3+s11], $0x20, s17, s11, $0xb8;
	[tilespmem:$0x2D00] =	vst v63  }
0x22: {  	_ =	swait.ge [sflag:s13], $0x1000  }
0x23: {  	[sflag:s13] =	ssyncset.done $0x0  }
0x24: {  	s30 =	sadd.s32 $0x0, s9;
	[sflag:s13] =	ssyncadd.s32 $0xFFFFF000  }
0x25: {  	[hbm4b:s30+s2] =	stream.linear.scatter [tilespmem:s12], [sflag:$0x2], $0x1000, $0x38;
	[tilespmem:$0x2D00] =	vst v63  }
0x26: {  	_ =	swait.ge [sflag:s15], $0x1000  }
0x27: {  	[sflag:s15] =	ssyncset.done $0x0  }
0x28: {  	s31 =	simm.s32 $0x180;
	[sflag:s15] =	ssyncadd.s32 $0xFFFFF000  }
0x29: {  	[tilespmem:s14], [sflag:$0x1] =	stream.indirect.gather [hbm4b:s3+s11], $0x20, s31, s11, $0xb8;
	[tilespmem:$0x2D00] =	vst v63  }
0x2a: {  	_ =	swait.ge [sflag:s13], $0x1000  }
0x2b: {  	[sflag:s13] =	ssyncset.done $0x0  }
0x2c: {  	s18 =	sadd.s32 $0x0, s8;
	s17 =	simm.s32 $0x400;
	[sflag:s13] =	ssyncadd.s32 $0xFFFFF000  }
.LBB2_2:
0x2d: {  	[hbm4b:s18+s2] =	stream.linear.scatter [tilespmem:s14], [sflag:$0x2], $0x1000, $0x38;
	[tilespmem:$0x2D00] =	vst v63  }
0x2e: {  	s18 =	smov.u32 s17  }
0x2f: {  	p0 =	sne.s32 s17, $0x2C00;
	s17 =	sadd.s32 $0x400, s17;
	_ =	swait.ge [sflag:s15], $0x1000  }
0x30: {  	s19 =	sshra.s32 s18, $0x2;
	[sflag:s15] =	ssyncset.done $0x0  }
0x31: {  	s20 =	sadd.s32 $0x100, s19;
	[sflag:s15] =	ssyncadd.s32 $0xFFFFF000  }
0x32: {  	[tilespmem:s12], [sflag:$0x1] =	stream.indirect.gather [hbm4b:s3+s11], $0x20, s20, s11, $0xb8;
	[tilespmem:$0x2D00] =	vst v63  }
0x33: {  	_ =	swait.ge [sflag:s13], $0x1000  }
0x34: {  	[sflag:s13] =	ssyncset.done $0x0  }
0x35: {  	s20 =	sadd.s32 s18, s9;
	[sflag:s13] =	ssyncadd.s32 $0xFFFFF000  }
0x36: {  	[hbm4b:s20+s2] =	stream.linear.scatter [tilespmem:s12], [sflag:$0x2], $0x1000, $0x38;
	[tilespmem:$0x2D00] =	vst v63  }
0x37: {  	_ =	swait.ge [sflag:s15], $0x1000  }
0x38: {  	[sflag:s15] =	ssyncset.done $0x0  }
.Ltmp0:
0x39: {  	s19 =	sadd.s32 $0x180, s19;
	[sflag:s15] =	ssyncadd.s32 $0xFFFFF000;
	(pc) =	sbr.rel @p0 .LBB2_2-.Ltmp0, $4  }
0x3a: {  	[tilespmem:s14], [sflag:$0x1] =	stream.indirect.gather [hbm4b:s3+s11], $0x20, s19, s11, $0xb8;
	[tilespmem:$0x2D00] =	vst v63  }
0x3b: {  	_ =	swait.ge [sflag:s13], $0x1000  }
0x3c: {  	[sflag:s13] =	ssyncset.done $0x0  }
0x3d: {  	s18 =	sadd.s32 s18, s8;
	[sflag:s13] =	ssyncadd.s32 $0xFFFFF000  }
0x3e: {  	[hbm4b:s18+s2] =	stream.linear.scatter [tilespmem:s14], [sflag:$0x2], $0x1000, $0x38;
	[tilespmem:$0x2D00] =	vst v63  }
0x3f: {  	s16 =	sadd.s32 $0x1, s16  }
0x40: {  	_ =	swait.ge [sflag:s15], $0x1000;
	p0 =	sne.s32 s16, s5  }
.Ltmp1:
0x41: {  	[sflag:s15] =	ssyncset.done $0x0;
	(pc) =	sbr.rel @p0 .LBB2_1-.Ltmp1, $4  }
0x42: {  	[sflag:s15] =	ssyncadd.s32 $0xFFFFF000  }
0x43: {  	_ =	swait.ge [sflag:s15], $0x1000  }
0x44: {  	[sflag:s15] =	ssyncset.done $0x0  }
0x45: {  	[sflag:s15] =	ssyncadd.s32 $0xFFFFF000  }
0x46: {  	_ =	sfence.sel $0x180000  }
0x47: {  	[bflag:$0x0] =	sbarrier.arrive $0xFFFF  }
0x48: {  	p0 =	sne.s32 s0, $0x0;
	_ =	strace $0x90000047  }
0x49: {  	s0 =	sadd.s32 @!p0 $0x100000, s1;
	[bflag:$0x2] =	sbarrier.arrive $0xFFFF  }
0x4a: {  	[sflag:s0] =	ssyncadd.tile.s32 @!p0 $0x1;
	_ =	shalt  }
.Lfunc_end2:
_tile_overlayer_lowered:
.L_overlay_start_2:
0x4b: {  	(tag) =	ssettag $0x2  }
0x4c: {  	s0 =	rddreg [dreg:$0x0];
	s2 =	stileid.u32  }
0x4d: {  	s1 =	rddreg [dreg:$0x1];
	p0 =	sne.s32 s2, $0x0  }
0x4e: {  	s3 =	rddreg [dreg:$0x2];
	[bflag:$0x3] =	sbarrier.arrive $0xFFFF;
	s2 =	simm.s32 @!p0 $0x1C03  }
0x4f: {  	[timem:s3], [sflag:s2] =	dma.local @!p0 [hbm:s0], s1  }
0x50: {  	s0 =	simm.s32 @!p0 $0x3  }
0x51: {  	_ =	swait.ge @!p0 [sflag:s0], s1  }
0x52: {  	s1 =	ssub.s32 @!p0 $0x0, s1;
	[sflag:s0] =	ssyncset.done @!p0 $0x0  }
0x53: {  	[sflag:s0] =	ssyncadd.s32 @!p0 s1  }
0x54: {  	[bflag:$0x3] =	sbarrier.arrive $0xFFFF  }
0x55: {  	_ =	shalt  }

</sc_bundles>
